<compile_context>
chip_gen: v7x
topology: tpu7x:2x2x1
jax: 0.10.2.dev20260603
libtpu: 0.0.44.dev20260713+nightly
codegen_flags: <defaults>
</compile_context>

<pallas_src>
import functools

import jax
import jax.numpy as jnp
from jax import lax
from jax.experimental import pallas as pl
from jax.experimental.pallas import tpu as pltpu
from jax.experimental.pallas import tpu_sc as plsc

NBINS = 8
B, H, N, D = 4, 12, 1024, 768

_HB = 2


def _sort_from_s(s, order_ref, counts_ref, goidx_ref):
    smin = jnp.min(s)
    smax = jnp.max(s)
    norm = (s[0:1, :] - smin) / (smax - smin)
    scaled = jnp.float32(NBINS) * norm
    bins = jnp.clip(jnp.floor(scaled).astype(jnp.int32), 0, NBINS - 1)

    bin_row = lax.broadcasted_iota(jnp.int32, (NBINS, N), 0)
    ind = (bins == bin_row).astype(jnp.float32)

    kk = lax.broadcasted_iota(jnp.int32, (N, N), 0)
    jj = lax.broadcasted_iota(jnp.int32, (N, N), 1)
    tri = (kk <= jj).astype(jnp.float32)
    csum = lax.dot(ind, tri, precision=lax.Precision.HIGHEST)

    counts = csum[:, N - 1:N]

    aa = lax.broadcasted_iota(jnp.int32, (NBINS, NBINS), 0)
    bb = lax.broadcasted_iota(jnp.int32, (NBINS, NBINS), 1)
    strict = (bb < aa).astype(jnp.float32)
    offs = lax.dot(strict, counts, precision=lax.Precision.HIGHEST)

    eye8 = (aa == bb).astype(jnp.float32)
    counts_row = lax.dot_general(
        counts, eye8, (((0,), (0,)), ((), ())),
        precision=lax.Precision.HIGHEST)
    counts_ref[...] = counts_row.astype(jnp.int32)

    rank_row = jnp.sum(ind * (csum + offs), axis=0, keepdims=True) - 1.0

    eye = (kk == jj).astype(jnp.float32)
    rank_col = lax.dot_general(
        eye, rank_row, (((1,), (1,)), ((), ())),
        precision=lax.Precision.HIGHEST)

    p_row = jj.astype(jnp.float32)
    onehot = (rank_col == p_row).astype(jnp.float32)
    j_col = kk.astype(jnp.float32)
    order_row = jnp.sum(onehot * j_col, axis=0, keepdims=True)
    order_ref[...] = order_row.astype(jnp.int32)

    order_i = order_row.astype(jnp.int32)
    goidx_ref[...] = jnp.concatenate(
        [order_i + batch * N for batch in range(B)], axis=1)


def _fused_body(x_ref, order_ref, counts_ref, goidx_ref, sacc_ref):
    b = pl.program_id(0)
    h = pl.program_id(1)

    @pl.when(h == 0)
    def _():
        sacc_ref[pl.ds(b, 1), :] = jnp.sum(x_ref[0, 0], axis=0, keepdims=True)

    @pl.when(h > 0)
    def _():
        sacc_ref[pl.ds(b, 1), :] += jnp.sum(x_ref[0, 0], axis=0, keepdims=True)

    for k in range(1, _HB):
        sacc_ref[pl.ds(b, 1), :] += jnp.sum(x_ref[0, k], axis=0, keepdims=True)

    @pl.when((b == B - 1) & (h == H // _HB - 1))
    def _():
        _sort_from_s(sacc_ref[0:B, :], order_ref, counts_ref, goidx_ref)


def _reduce_and_sort(scores):
    return pl.pallas_call(
        _fused_body,
        grid=(B, H // _HB),
        in_specs=[pl.BlockSpec((1, _HB, N, N), lambda b, h: (b, h, 0, 0))],
        out_specs=(
            pl.BlockSpec((1, N), lambda b, h: (0, 0)),
            pl.BlockSpec((1, NBINS), lambda b, h: (0, 0)),
            pl.BlockSpec((1, B * N), lambda b, h: (0, 0)),
        ),
        out_shape=(
            jax.ShapeDtypeStruct((1, N), jnp.int32),
            jax.ShapeDtypeStruct((1, NBINS), jnp.int32),
            jax.ShapeDtypeStruct((1, B * N), jnp.int32),
        ),
        scratch_shapes=[pltpu.VMEM((8, N), jnp.float32)],
        compiler_params=pltpu.CompilerParams(
            dimension_semantics=("arbitrary", "arbitrary"),
        ),
    )(scores)


_NC, _NS = 2, 16
_NW = _NC * _NS
_ROWS_PER_W = (B * N) // _NW

_NCH = 4
_CH = _ROWS_PER_W // _NCH


@functools.cache
def _sc_gather_kernel():
    @functools.partial(
        pl.kernel,
        mesh=plsc.VectorSubcoreMesh(
            core_axis_name="c", subcore_axis_name="s", num_cores=_NC),
        out_type=jax.ShapeDtypeStruct((B * N, D), jnp.float32),
        scratch_types=[
            pltpu.VMEM((_ROWS_PER_W,), jnp.int32),
        ]
        + [pltpu.VMEM((_CH, D), jnp.float32) for _ in range(_NCH)]
        + [pltpu.SemaphoreType.DMA for _ in range(_NCH)]
        + [pltpu.SemaphoreType.DMA],
    )
    def _sc_gather(table_hbm, idx_hbm, out_hbm, idx_v, *scratch):
        bufs = scratch[:_NCH]
        gsems = scratch[_NCH:2 * _NCH]
        ssem = scratch[2 * _NCH]
        wid = lax.axis_index("s") * _NC + lax.axis_index("c")
        base = wid * _ROWS_PER_W
        pltpu.sync_copy(idx_hbm.at[pl.ds(base, _ROWS_PER_W)], idx_v)
        gathers = [
            pltpu.async_copy(
                table_hbm.at[idx_v.at[pl.ds(c * _CH, _CH)]], bufs[c], gsems[c])
            for c in range(_NCH)
        ]
        scatters = []
        for c in range(_NCH):
            gathers[c].wait()
            scatters.append(
                pltpu.async_copy(
                    bufs[c], out_hbm.at[pl.ds(base + c * _CH, _CH)], ssem))
        for c in range(_NCH):
            scatters[c].wait()

    return _sc_gather


def kernel(scores, patch_sequence):
    order2d, counts2d, goidx = _reduce_and_sort(scores)
    table = patch_sequence.reshape(B * N, D)
    patches = _sc_gather_kernel()(table, goidx.reshape(B * N)).reshape(B, N, D)
    order = order2d.reshape(N)
    counts = counts2d.reshape(NBINS)
    return patches, order, counts

# --- scband reference (transcript-rebuilt; emitter-appended) ---
"""Pipeline reference for scband-ranking-module-64003602645101 (READ-ONLY COPY).

The authoritative reference and input builder live on the scoring server;
editing this copy changes nothing except your own understanding.
"""

import jax, jax.numpy as jnp
import numpy as np

NBINS = 8
SELF_ATTENTION = True


def setup_inputs(seed: int = 0) -> dict:
    key = jax.random.key(seed)
    k1, k2 = jax.random.split(key)
    scores = jax.random.uniform(k1, (4, 12, 1024, 1024), dtype=jnp.float32)
    patch_sequence = jax.random.normal(k2, (4, 1024, 768), dtype=jnp.float32)
    return {"scores": scores, "patch_sequence": patch_sequence}


def _reduce_scores(scores):
    # tf.reduce_sum(axis=1) twice: [B,H,N,N] -> [B,N,N] -> [B,N]
    s = jnp.sum(jnp.sum(scores, axis=1, keepdims=False), axis=1, keepdims=False)
    smin = jnp.min(s)
    smax = jnp.max(s)
    return (s - smin) / (smax - smin)


def _find_bins(scores, nbins):
    # tf.histogram_fixed_width_bins(scores, [0.0, 1.0], nbins)[0]
    scaled = nbins * (scores - 0.0) / (1.0 - 0.0)
    idx = jnp.clip(jnp.floor(scaled).astype(jnp.int32), 0, nbins - 1)
    return idx[0]


def reference(scores, patch_sequence):
    if SELF_ATTENTION:
        scores = _reduce_scores(scores)
    bin_per_patch = _find_bins(scores, NBINS)
    # Concatenation of per-bin tf.where index lists (ascending within each bin,
    # bins visited in order 0..nbins-1) == stable argsort by bin id.
    order = jnp.argsort(bin_per_patch)  # jnp.argsort is stable by default
    patches = jnp.take(patch_sequence, order, axis=1)
    counts = jnp.bincount(bin_per_patch, length=NBINS)
    return patches, order.astype(jnp.int64), counts

if __name__ == "__main__":
    import jax
    _d = setup_inputs()
    print(jax.jit(kernel)(*tuple(_d.values())))

</pallas_src>

<mosaic_0001>
#map = affine_map<(d0, d1) -> (0, 0)>
#map1 = affine_map<(d0, d1) -> (0)>
module attributes {stable_mosaic.version = 14 : i64} {
  func.func @_sc_gather(%arg0: i32, %arg1: i32, %arg2: memref<4096x768xf32, #tpu.memory_space<hbm>>, %arg3: memref<4096xi32, #tpu.memory_space<hbm>>, %arg4: memref<4096x768xf32, #tpu.memory_space<hbm>>, %arg5: memref<128xi32, #tpu.memory_space<vmem>>, %arg6: memref<32x768xf32, #tpu.memory_space<vmem>>, %arg7: memref<32x768xf32, #tpu.memory_space<vmem>>, %arg8: memref<32x768xf32, #tpu.memory_space<vmem>>, %arg9: memref<32x768xf32, #tpu.memory_space<vmem>>, %arg10: memref<!tpu.dma_semaphore, #tpu.memory_space<semaphore_mem>>, %arg11: memref<!tpu.dma_semaphore, #tpu.memory_space<semaphore_mem>>, %arg12: memref<!tpu.dma_semaphore, #tpu.memory_space<semaphore_mem>>, %arg13: memref<!tpu.dma_semaphore, #tpu.memory_space<semaphore_mem>>, %arg14: memref<!tpu.dma_semaphore, #tpu.memory_space<semaphore_mem>>) attributes {dimension_semantics = [#tpu.dimension_semantics<core_parallel>, #tpu.dimension_semantics<subcore_parallel>], iteration_bounds = array<i64: 2, 16>, scalar_prefetch = 0 : i64, scratch_operands = 10 : i64, tpu.core_type = #tpu.core_type<sc_vector_subcore>, window_params = [{transform_indices = #map}, {transform_indices = #map1}, {transform_indices = #map}]} {
    %mul3A = arith.constant 2 : i32
    %mul3A_0 = arith.muli %arg1, %mul3A : i32
    %add3A = arith.addi %mul3A_0, %arg0 : i32
    %mul3A_1 = arith.constant 128 : i32
    %mul3A_2 = arith.muli %add3A, %mul3A_1 : i32
    "tpu.region"() ({
      %run_scoped3A = tpu.sem_alloc : memref<!tpu.dma_semaphore, #tpu.memory_space<semaphore_mem>>
      %dma_start3A_81 = tpu.memref_slice %arg3[%mul3A_2] : memref<4096xi32, #tpu.memory_space<hbm>> -> memref<128xi32, #tpu.memory_space<hbm>>
      %dma_start3A_82 = tpu.memref_slice %arg3[%mul3A_2] : memref<4096xi32, #tpu.memory_space<hbm>> -> memref<128xi32, #tpu.memory_space<hbm>>
      tpu.enqueue_dma source(%dma_start3A_82 : memref<128xi32, #tpu.memory_space<hbm>>) target(%arg5 : memref<128xi32, #tpu.memory_space<vmem>>) target_semaphore(%run_scoped3A : memref<!tpu.dma_semaphore, #tpu.memory_space<semaphore_mem>>)
      %dma_wait3A_83 = tpu.memref_slice %arg3[%mul3A_2] : memref<4096xi32, #tpu.memory_space<hbm>> -> memref<128xi32, #tpu.memory_space<hbm>>
      %dma_wait3A_84 = tpu.memref_slice %arg3[%mul3A_2] : memref<4096xi32, #tpu.memory_space<hbm>> -> memref<128xi32, #tpu.memory_space<hbm>>
      tpu.wait_dma2 semaphore(%run_scoped3A : memref<!tpu.dma_semaphore, #tpu.memory_space<semaphore_mem>>) src(%dma_wait3A_84 : memref<128xi32, #tpu.memory_space<hbm>>) dst(%arg5 : memref<128xi32, #tpu.memory_space<vmem>>)
      tpu.yield
    }) : () -> ()
    %dma_start3A = arith.constant 0 : i32
    %dma_start3A_3 = tpu.memref_slice %arg5[%dma_start3A] : memref<128xi32, #tpu.memory_space<vmem>> -> memref<32xi32, #tpu.memory_space<vmem>>
    %dma_start3A_4 = arith.constant 0 : i32
    %dma_start3A_5 = arith.constant 0 : i32
    %dma_start3A_6 = tpu.memref_slice %arg2[%dma_start3A_4, %dma_start3A_5] : memref<4096x768xf32, #tpu.memory_space<hbm>> -> memref<4096x768xf32, #tpu.memory_space<hbm>>
    tpu.enqueue_indirect_dma source(%dma_start3A_6 : memref<4096x768xf32, #tpu.memory_space<hbm>>) target(%arg6 : memref<32x768xf32, #tpu.memory_space<vmem>>) offsets(%dma_start3A_3 : memref<32xi32, #tpu.memory_space<vmem>>) semaphore(%arg10 : memref<!tpu.dma_semaphore, #tpu.memory_space<semaphore_mem>>)
    %dma_start3A_7 = arith.constant 32 : i32
    %dma_start3A_8 = tpu.memref_slice %arg5[%dma_start3A_7] : memref<128xi32, #tpu.memory_space<vmem>> -> memref<32xi32, #tpu.memory_space<vmem>>
    %dma_start3A_9 = arith.constant 0 : i32
    %dma_start3A_10 = arith.constant 0 : i32
    %dma_start3A_11 = tpu.memref_slice %arg2[%dma_start3A_9, %dma_start3A_10] : memref<4096x768xf32, #tpu.memory_space<hbm>> -> memref<4096x768xf32, #tpu.memory_space<hbm>>
    tpu.enqueue_indirect_dma source(%dma_start3A_11 : memref<4096x768xf32, #tpu.memory_space<hbm>>) target(%arg7 : memref<32x768xf32, #tpu.memory_space<vmem>>) offsets(%dma_start3A_8 : memref<32xi32, #tpu.memory_space<vmem>>) semaphore(%arg11 : memref<!tpu.dma_semaphore, #tpu.memory_space<semaphore_mem>>)
    %dma_start3A_12 = arith.constant 64 : i32
    %dma_start3A_13 = tpu.memref_slice %arg5[%dma_start3A_12] : memref<128xi32, #tpu.memory_space<vmem>> -> memref<32xi32, #tpu.memory_space<vmem>>
    %dma_start3A_14 = arith.constant 0 : i32
    %dma_start3A_15 = arith.constant 0 : i32
    %dma_start3A_16 = tpu.memref_slice %arg2[%dma_start3A_14, %dma_start3A_15] : memref<4096x768xf32, #tpu.memory_space<hbm>> -> memref<4096x768xf32, #tpu.memory_space<hbm>>
    tpu.enqueue_indirect_dma source(%dma_start3A_16 : memref<4096x768xf32, #tpu.memory_space<hbm>>) target(%arg8 : memref<32x768xf32, #tpu.memory_space<vmem>>) offsets(%dma_start3A_13 : memref<32xi32, #tpu.memory_space<vmem>>) semaphore(%arg12 : memref<!tpu.dma_semaphore, #tpu.memory_space<semaphore_mem>>)
    %dma_start3A_17 = arith.constant 96 : i32
    %dma_start3A_18 = tpu.memref_slice %arg5[%dma_start3A_17] : memref<128xi32, #tpu.memory_space<vmem>> -> memref<32xi32, #tpu.memory_space<vmem>>
    %dma_start3A_19 = arith.constant 0 : i32
    %dma_start3A_20 = arith.constant 0 : i32
    %dma_start3A_21 = tpu.memref_slice %arg2[%dma_start3A_19, %dma_start3A_20] : memref<4096x768xf32, #tpu.memory_space<hbm>> -> memref<4096x768xf32, #tpu.memory_space<hbm>>
    tpu.enqueue_indirect_dma source(%dma_start3A_21 : memref<4096x768xf32, #tpu.memory_space<hbm>>) target(%arg9 : memref<32x768xf32, #tpu.memory_space<vmem>>) offsets(%dma_start3A_18 : memref<32xi32, #tpu.memory_space<vmem>>) semaphore(%arg13 : memref<!tpu.dma_semaphore, #tpu.memory_space<semaphore_mem>>)
    %dma_wait3A = arith.constant 0 : i32
    %dma_wait3A_22 = tpu.memref_slice %arg5[%dma_wait3A] : memref<128xi32, #tpu.memory_space<vmem>> -> memref<32xi32, #tpu.memory_space<vmem>>
    %dma_wait3A_23 = arith.constant 0 : i32
    %dma_wait3A_24 = arith.constant 0 : i32
    %dma_wait3A_25 = tpu.memref_slice %arg2[%dma_wait3A_23, %dma_wait3A_24] : memref<4096x768xf32, #tpu.memory_space<hbm>> -> memref<4096x768xf32, #tpu.memory_space<hbm>>
    tpu.wait_indirect_dma semaphore(%arg10 : memref<!tpu.dma_semaphore, #tpu.memory_space<semaphore_mem>>) src(%dma_wait3A_25 : memref<4096x768xf32, #tpu.memory_space<hbm>>) dst(%arg6 : memref<32x768xf32, #tpu.memory_space<vmem>>)
    %add3A_26 = arith.constant 0 : i32
    %add3A_27 = arith.addi %mul3A_2, %add3A_26 : i32
    %dma_start3A_28 = arith.constant 0 : i32
    %dma_start3A_29 = tpu.memref_slice %arg4[%add3A_27, %dma_start3A_28] : memref<4096x768xf32, #tpu.memory_space<hbm>> -> memref<32x768xf32, #tpu.memory_space<hbm>>
    %dma_start3A_30 = arith.constant 0 : i32
    %dma_start3A_31 = tpu.memref_slice %arg4[%add3A_27, %dma_start3A_30] : memref<4096x768xf32, #tpu.memory_space<hbm>> -> memref<32x768xf32, #tpu.memory_space<hbm>>
    tpu.enqueue_dma source(%arg6 : memref<32x768xf32, #tpu.memory_space<vmem>>) target(%dma_start3A_31 : memref<32x768xf32, #tpu.memory_space<hbm>>) target_semaphore(%arg14 : memref<!tpu.dma_semaphore, #tpu.memory_space<semaphore_mem>>)
    %dma_wait3A_32 = arith.constant 32 : i32
    %dma_wait3A_33 = tpu.memref_slice %arg5[%dma_wait3A_32] : memref<128xi32, #tpu.memory_space<vmem>> -> memref<32xi32, #tpu.memory_space<vmem>>
    %dma_wait3A_34 = arith.constant 0 : i32
    %dma_wait3A_35 = arith.constant 0 : i32
    %dma_wait3A_36 = tpu.memref_slice %arg2[%dma_wait3A_34, %dma_wait3A_35] : memref<4096x768xf32, #tpu.memory_space<hbm>> -> memref<4096x768xf32, #tpu.memory_space<hbm>>
    tpu.wait_indirect_dma semaphore(%arg11 : memref<!tpu.dma_semaphore, #tpu.memory_space<semaphore_mem>>) src(%dma_wait3A_36 : memref<4096x768xf32, #tpu.memory_space<hbm>>) dst(%arg7 : memref<32x768xf32, #tpu.memory_space<vmem>>)
    %add3A_37 = arith.constant 32 : i32
    %add3A_38 = arith.addi %mul3A_2, %add3A_37 : i32
    %dma_start3A_39 = arith.constant 0 : i32
    %dma_start3A_40 = tpu.memref_slice %arg4[%add3A_38, %dma_start3A_39] : memref<4096x768xf32, #tpu.memory_space<hbm>> -> memref<32x768xf32, #tpu.memory_space<hbm>>
    %dma_start3A_41 = arith.constant 0 : i32
    %dma_start3A_42 = tpu.memref_slice %arg4[%add3A_38, %dma_start3A_41] : memref<4096x768xf32, #tpu.memory_space<hbm>> -> memref<32x768xf32, #tpu.memory_space<hbm>>
    tpu.enqueue_dma source(%arg7 : memref<32x768xf32, #tpu.memory_space<vmem>>) target(%dma_start3A_42 : memref<32x768xf32, #tpu.memory_space<hbm>>) target_semaphore(%arg14 : memref<!tpu.dma_semaphore, #tpu.memory_space<semaphore_mem>>)
    %dma_wait3A_43 = arith.constant 64 : i32
    %dma_wait3A_44 = tpu.memref_slice %arg5[%dma_wait3A_43] : memref<128xi32, #tpu.memory_space<vmem>> -> memref<32xi32, #tpu.memory_space<vmem>>
    %dma_wait3A_45 = arith.constant 0 : i32
    %dma_wait3A_46 = arith.constant 0 : i32
    %dma_wait3A_47 = tpu.memref_slice %arg2[%dma_wait3A_45, %dma_wait3A_46] : memref<4096x768xf32, #tpu.memory_space<hbm>> -> memref<4096x768xf32, #tpu.memory_space<hbm>>
    tpu.wait_indirect_dma semaphore(%arg12 : memref<!tpu.dma_semaphore, #tpu.memory_space<semaphore_mem>>) src(%dma_wait3A_47 : memref<4096x768xf32, #tpu.memory_space<hbm>>) dst(%arg8 : memref<32x768xf32, #tpu.memory_space<vmem>>)
    %add3A_48 = arith.constant 64 : i32
    %add3A_49 = arith.addi %mul3A_2, %add3A_48 : i32
    %dma_start3A_50 = arith.constant 0 : i32
    %dma_start3A_51 = tpu.memref_slice %arg4[%add3A_49, %dma_start3A_50] : memref<4096x768xf32, #tpu.memory_space<hbm>> -> memref<32x768xf32, #tpu.memory_space<hbm>>
    %dma_start3A_52 = arith.constant 0 : i32
    %dma_start3A_53 = tpu.memref_slice %arg4[%add3A_49, %dma_start3A_52] : memref<4096x768xf32, #tpu.memory_space<hbm>> -> memref<32x768xf32, #tpu.memory_space<hbm>>
    tpu.enqueue_dma source(%arg8 : memref<32x768xf32, #tpu.memory_space<vmem>>) target(%dma_start3A_53 : memref<32x768xf32, #tpu.memory_space<hbm>>) target_semaphore(%arg14 : memref<!tpu.dma_semaphore, #tpu.memory_space<semaphore_mem>>)
    %dma_wait3A_54 = arith.constant 96 : i32
    %dma_wait3A_55 = tpu.memref_slice %arg5[%dma_wait3A_54] : memref<128xi32, #tpu.memory_space<vmem>> -> memref<32xi32, #tpu.memory_space<vmem>>
    %dma_wait3A_56 = arith.constant 0 : i32
    %dma_wait3A_57 = arith.constant 0 : i32
    %dma_wait3A_58 = tpu.memref_slice %arg2[%dma_wait3A_56, %dma_wait3A_57] : memref<4096x768xf32, #tpu.memory_space<hbm>> -> memref<4096x768xf32, #tpu.memory_space<hbm>>
    tpu.wait_indirect_dma semaphore(%arg13 : memref<!tpu.dma_semaphore, #tpu.memory_space<semaphore_mem>>) src(%dma_wait3A_58 : memref<4096x768xf32, #tpu.memory_space<hbm>>) dst(%arg9 : memref<32x768xf32, #tpu.memory_space<vmem>>)
    %add3A_59 = arith.constant 96 : i32
    %add3A_60 = arith.addi %mul3A_2, %add3A_59 : i32
    %dma_start3A_61 = arith.constant 0 : i32
    %dma_start3A_62 = tpu.memref_slice %arg4[%add3A_60, %dma_start3A_61] : memref<4096x768xf32, #tpu.memory_space<hbm>> -> memref<32x768xf32, #tpu.memory_space<hbm>>
    %dma_start3A_63 = arith.constant 0 : i32
    %dma_start3A_64 = tpu.memref_slice %arg4[%add3A_60, %dma_start3A_63] : memref<4096x768xf32, #tpu.memory_space<hbm>> -> memref<32x768xf32, #tpu.memory_space<hbm>>
    tpu.enqueue_dma source(%arg9 : memref<32x768xf32, #tpu.memory_space<vmem>>) target(%dma_start3A_64 : memref<32x768xf32, #tpu.memory_space<hbm>>) target_semaphore(%arg14 : memref<!tpu.dma_semaphore, #tpu.memory_space<semaphore_mem>>)
    %dma_wait3A_65 = arith.constant 0 : i32
    %dma_wait3A_66 = tpu.memref_slice %arg4[%add3A_27, %dma_wait3A_65] : memref<4096x768xf32, #tpu.memory_space<hbm>> -> memref<32x768xf32, #tpu.memory_space<hbm>>
    %dma_wait3A_67 = arith.constant 0 : i32
    %dma_wait3A_68 = tpu.memref_slice %arg4[%add3A_27, %dma_wait3A_67] : memref<4096x768xf32, #tpu.memory_space<hbm>> -> memref<32x768xf32, #tpu.memory_space<hbm>>
    tpu.wait_dma2 semaphore(%arg14 : memref<!tpu.dma_semaphore, #tpu.memory_space<semaphore_mem>>) src(%arg6 : memref<32x768xf32, #tpu.memory_space<vmem>>) dst(%dma_wait3A_68 : memref<32x768xf32, #tpu.memory_space<hbm>>)
    %dma_wait3A_69 = arith.constant 0 : i32
    %dma_wait3A_70 = tpu.memref_slice %arg4[%add3A_38, %dma_wait3A_69] : memref<4096x768xf32, #tpu.memory_space<hbm>> -> memref<32x768xf32, #tpu.memory_space<hbm>>
    %dma_wait3A_71 = arith.constant 0 : i32
    %dma_wait3A_72 = tpu.memref_slice %arg4[%add3A_38, %dma_wait3A_71] : memref<4096x768xf32, #tpu.memory_space<hbm>> -> memref<32x768xf32, #tpu.memory_space<hbm>>
    tpu.wait_dma2 semaphore(%arg14 : memref<!tpu.dma_semaphore, #tpu.memory_space<semaphore_mem>>) src(%arg7 : memref<32x768xf32, #tpu.memory_space<vmem>>) dst(%dma_wait3A_72 : memref<32x768xf32, #tpu.memory_space<hbm>>)
    %dma_wait3A_73 = arith.constant 0 : i32
    %dma_wait3A_74 = tpu.memref_slice %arg4[%add3A_49, %dma_wait3A_73] : memref<4096x768xf32, #tpu.memory_space<hbm>> -> memref<32x768xf32, #tpu.memory_space<hbm>>
    %dma_wait3A_75 = arith.constant 0 : i32
    %dma_wait3A_76 = tpu.memref_slice %arg4[%add3A_49, %dma_wait3A_75] : memref<4096x768xf32, #tpu.memory_space<hbm>> -> memref<32x768xf32, #tpu.memory_space<hbm>>
    tpu.wait_dma2 semaphore(%arg14 : memref<!tpu.dma_semaphore, #tpu.memory_space<semaphore_mem>>) src(%arg8 : memref<32x768xf32, #tpu.memory_space<vmem>>) dst(%dma_wait3A_76 : memref<32x768xf32, #tpu.memory_space<hbm>>)
    %dma_wait3A_77 = arith.constant 0 : i32
    %dma_wait3A_78 = tpu.memref_slice %arg4[%add3A_60, %dma_wait3A_77] : memref<4096x768xf32, #tpu.memory_space<hbm>> -> memref<32x768xf32, #tpu.memory_space<hbm>>
    %dma_wait3A_79 = arith.constant 0 : i32
    %dma_wait3A_80 = tpu.memref_slice %arg4[%add3A_60, %dma_wait3A_79] : memref<4096x768xf32, #tpu.memory_space<hbm>> -> memref<32x768xf32, #tpu.memory_space<hbm>>
    tpu.wait_dma2 semaphore(%arg14 : memref<!tpu.dma_semaphore, #tpu.memory_space<semaphore_mem>>) src(%arg9 : memref<32x768xf32, #tpu.memory_space<vmem>>) dst(%dma_wait3A_80 : memref<32x768xf32, #tpu.memory_space<hbm>>)
    return
  }
}

module attributes {stable_mosaic.version = 14 : i64} {
  func.func @_fused_body(%arg0: i32, %arg1: i32, %arg2: memref<1x2x1024x1024xf32, #tpu.memory_space<vmem>>, %arg3: memref<1x1024xi32, #tpu.memory_space<vmem>>, %arg4: memref<1x8xi32, #tpu.memory_space<vmem>>, %arg5: memref<1x4096xi32, #tpu.memory_space<vmem>>, %arg6: memref<8x1024xf32, #tpu.memory_space<vmem>>) attributes {dimension_semantics = [#tpu.dimension_semantics<arbitrary>, #tpu.dimension_semantics<arbitrary>], iteration_bounds = array<i64: 4, 6>, scalar_prefetch = 0 : i64, scratch_operands = 1 : i64, tpu.core_type = #tpu.core_type<tc>, window_params = [{transform_indices = @transform_0, window_bounds = array<i64: 1, 2, 1024, 1024>}, {pipeline_mode = #tpu.pipeline_mode<synchronous>, transform_indices = @transform_1, window_bounds = array<i64: 1, 1024>}, {pipeline_mode = #tpu.pipeline_mode<synchronous>, transform_indices = @transform_2, window_bounds = array<i64: 1, 8>}, {pipeline_mode = #tpu.pipeline_mode<synchronous>, transform_indices = @transform_3, window_bounds = array<i64: 1, 4096>}]} {
    %eq3A = arith.constant 0 : i32
    %eq3A_0 = arith.cmpi eq, %arg1, %eq3A : i32
    %convert_element_type3A = arith.extui %eq3A_0 : i1 to i32
    %cond3A = arith.constant 0 : i32
    %cond3A_1 = arith.cmpi ne, %convert_element_type3A, %cond3A : i32
    scf.if %cond3A_1 {
      %get3A_24 = arith.constant 0 : index
      %get3A_25 = arith.constant 0 : index
      %get3A_26 = arith.constant 0 : index
      %get3A_27 = arith.constant 0 : index
      %get3A_28 = vector.load %arg2[%get3A_24, %get3A_25, %get3A_26, %get3A_27] : memref<1x2x1024x1024xf32, #tpu.memory_space<vmem>>, vector<1x1x1024x1024xf32>
      %get3A_29 = vector.shape_cast %get3A_28 : vector<1x1x1024x1024xf32> to vector<1024x1024xf32>
      %reduce_sum3A_30 = arith.constant dense<0.000000e+00> : vector<1024xf32>
      %reduce_sum3A_31 = vector.multi_reduction <add>, %get3A_29, %reduce_sum3A_30 [0] : vector<1024x1024xf32> to vector<1024xf32>
      %broadcast_in_dim3A_32 = vector.shape_cast %reduce_sum3A_31 : vector<1024xf32> to vector<1x1024xf32>
      %swap3A_33 = arith.index_cast %arg0 : i32 to index
      %swap3A_34 = arith.constant 0 : index
      %swap3A_35 = vector.load %arg6[%swap3A_33, %swap3A_34] : memref<8x1024xf32, #tpu.memory_space<vmem>>, vector<1x1024xf32>
      tpu.vector_store %arg6[%swap3A_33, %swap3A_34], %broadcast_in_dim3A_32 {strides = array<i32>} : memref<8x1024xf32, #tpu.memory_space<vmem>>, vector<1x1024xf32>,
    } else {
    }
    %gt3A = arith.constant 0 : i32
    %gt3A_2 = arith.cmpi sgt, %arg1, %gt3A : i32
    %convert_element_type3A_3 = arith.extui %gt3A_2 : i1 to i32
    %cond3A_4 = arith.constant 0 : i32
    %cond3A_5 = arith.cmpi ne, %convert_element_type3A_3, %cond3A_4 : i32
    scf.if %cond3A_5 {
      %get3A_24 = arith.index_cast %arg0 : i32 to index
      %get3A_25 = arith.constant 0 : index
      %get3A_26 = vector.load %arg6[%get3A_24, %get3A_25] : memref<8x1024xf32, #tpu.memory_space<vmem>>, vector<1x1024xf32>
      %get3A_27 = arith.constant 0 : index
      %get3A_28 = arith.constant 0 : index
      %get3A_29 = arith.constant 0 : index
      %get3A_30 = arith.constant 0 : index
      %get3A_31 = vector.load %arg2[%get3A_27, %get3A_28, %get3A_29, %get3A_30] : memref<1x2x1024x1024xf32, #tpu.memory_space<vmem>>, vector<1x1x1024x1024xf32>
      %get3A_32 = vector.shape_cast %get3A_31 : vector<1x1x1024x1024xf32> to vector<1024x1024xf32>
      %reduce_sum3A_33 = arith.constant dense<0.000000e+00> : vector<1024xf32>
      %reduce_sum3A_34 = vector.multi_reduction <add>, %get3A_32, %reduce_sum3A_33 [0] : vector<1024x1024xf32> to vector<1024xf32>
      %broadcast_in_dim3A_35 = vector.shape_cast %reduce_sum3A_34 : vector<1024xf32> to vector<1x1024xf32>
      %add3A_36 = arith.addf %get3A_26, %broadcast_in_dim3A_35 : vector<1x1024xf32>
      %swap3A_37 = arith.index_cast %arg0 : i32 to index
      %swap3A_38 = arith.constant 0 : index
      %swap3A_39 = vector.load %arg6[%swap3A_37, %swap3A_38] : memref<8x1024xf32, #tpu.memory_space<vmem>>, vector<1x1024xf32>
      tpu.vector_store %arg6[%swap3A_37, %swap3A_38], %add3A_36 {strides = array<i32>} : memref<8x1024xf32, #tpu.memory_space<vmem>>, vector<1x1024xf32>,
    } else {
    }
    %get3A = arith.index_cast %arg0 : i32 to index
    %get3A_6 = arith.constant 0 : index
    %get3A_7 = vector.load %arg6[%get3A, %get3A_6] : memref<8x1024xf32, #tpu.memory_space<vmem>>, vector<1x1024xf32>
    %get3A_8 = arith.constant 0 : index
    %get3A_9 = arith.constant 1 : index
    %get3A_10 = arith.constant 0 : index
    %get3A_11 = arith.constant 0 : index
    %get3A_12 = vector.load %arg2[%get3A_8, %get3A_9, %get3A_10, %get3A_11] : memref<1x2x1024x1024xf32, #tpu.memory_space<vmem>>, vector<1x1x1024x1024xf32>
    %get3A_13 = vector.shape_cast %get3A_12 : vector<1x1x1024x1024xf32> to vector<1024x1024xf32>
    %reduce_sum3A = arith.constant dense<0.000000e+00> : vector<1024xf32>
    %reduce_sum3A_14 = vector.multi_reduction <add>, %get3A_13, %reduce_sum3A [0] : vector<1024x1024xf32> to vector<1024xf32>
    %broadcast_in_dim3A = vector.shape_cast %reduce_sum3A_14 : vector<1024xf32> to vector<1x1024xf32>
    %add3A = arith.addf %get3A_7, %broadcast_in_dim3A : vector<1x1024xf32>
    %swap3A = arith.index_cast %arg0 : i32 to index
    %swap3A_15 = arith.constant 0 : index
    %swap3A_16 = vector.load %arg6[%swap3A, %swap3A_15] : memref<8x1024xf32, #tpu.memory_space<vmem>>, vector<1x1024xf32>
    tpu.vector_store %arg6[%swap3A, %swap3A_15], %add3A {strides = array<i32>} : memref<8x1024xf32, #tpu.memory_space<vmem>>, vector<1x1024xf32>,
    %eq3A_17 = arith.constant 3 : i32
    %eq3A_18 = arith.cmpi eq, %arg0, %eq3A_17 : i32
    %eq3A_19 = arith.constant 5 : i32
    %eq3A_20 = arith.cmpi eq, %arg1, %eq3A_19 : i32
    %and3A = arith.andi %eq3A_18, %eq3A_20 : i1
    %convert_element_type3A_21 = arith.extui %and3A : i1 to i32
    %cond3A_22 = arith.constant 0 : i32
    %cond3A_23 = arith.cmpi ne, %convert_element_type3A_21, %cond3A_22 : i32
    scf.if %cond3A_23 {
      %get3A_24 = arith.constant 0 : index
      %get3A_25 = arith.constant 0 : index
      %get3A_26 = vector.load %arg6[%get3A_24, %get3A_25] : memref<8x1024xf32, #tpu.memory_space<vmem>>, vector<4x1024xf32>
      %reduce_min3A = vector.shape_cast %get3A_26 : vector<4x1024xf32> to vector<1x4x1024xf32>
      %reduce_min3A_27 = arith.constant dense<0x7F800000> : vector<1xf32>
      %reduce_min3A_28 = vector.multi_reduction <minimumf>, %reduce_min3A, %reduce_min3A_27 [1, 2] : vector<1x4x1024xf32> to vector<1xf32>
      %reduce_min3A_29 = vector.shape_cast %reduce_min3A_28 : vector<1xf32> to vector<1x1x1xf32>
      %reduce_min3A_30 = vector.extract %reduce_min3A_29[0, 0, 0] : f32 from vector<1x1x1xf32>
      %reduce_max3A = vector.shape_cast %get3A_26 : vector<4x1024xf32> to vector<1x4x1024xf32>
      %reduce_max3A_31 = arith.constant dense<0xFF800000> : vector<1xf32>
      %reduce_max3A_32 = vector.multi_reduction <maximumf>, %reduce_max3A, %reduce_max3A_31 [1, 2] : vector<1x4x1024xf32> to vector<1xf32>
      %reduce_max3A_33 = vector.shape_cast %reduce_max3A_32 : vector<1xf32> to vector<1x1x1xf32>
      %reduce_max3A_34 = vector.extract %reduce_max3A_33[0, 0, 0] : f32 from vector<1x1x1xf32>
      %slice3A = vector.extract_strided_slice %get3A_26 {offsets = [0, 0], sizes = [1, 1024], strides = [1, 1]} : vector<4x1024xf32> to vector<1x1024xf32>
      %sub3A = vector.broadcast %reduce_min3A_30 : f32 to vector<1x1024xf32>
      %sub3A_35 = arith.subf %slice3A, %sub3A : vector<1x1024xf32>
      %sub3A_36 = arith.subf %reduce_max3A_34, %reduce_min3A_30 : f32
      %div3A = vector.broadcast %sub3A_36 : f32 to vector<1x1024xf32>
      %div3A_37 = arith.divf %sub3A_35, %div3A : vector<1x1024xf32>
      %mul3A = arith.constant 8.000000e+00 : f32
      %mul3A_38 = vector.broadcast %mul3A : f32 to vector<1x1024xf32>
      %mul3A_39 = arith.mulf %mul3A_38, %div3A_37 : vector<1x1024xf32>
      %floor3A = math.floor %mul3A_39 : vector<1x1024xf32>
      %convert_element_type3A_40 = arith.fptosi %floor3A : vector<1x1024xf32> to vector<1x1024xi32>
      %jit3A = arith.constant 0 : i32
      %jit3A_41 = arith.constant 7 : i32
      %max3A = vector.broadcast %jit3A : i32 to vector<1x1024xi32>
      %max3A_42 = arith.maxsi %max3A, %convert_element_type3A_40 : vector<1x1024xi32>
      %min3A = vector.broadcast %jit3A_41 : i32 to vector<1x1024xi32>
      %min3A_43 = arith.minsi %min3A, %max3A_42 : vector<1x1024xi32>
      %iota3A = tpu.iota {dimensions = array<i32: 0>} : vector<8x1024xi32>
      %eq3A_44 = vector.broadcast %min3A_43 : vector<1x1024xi32> to vector<8x1024xi32>
      %eq3A_45 = arith.cmpi eq, %eq3A_44, %iota3A : vector<8x1024xi32>
      %convert_element_type3A_46 = arith.extui %eq3A_45 : vector<8x1024xi1> to vector<8x1024xi32>
      %convert_element_type3A_47 = arith.sitofp %convert_element_type3A_46 : vector<8x1024xi32> to vector<8x1024xf32>
      %iota3A_48 = tpu.iota {dimensions = array<i32: 0>} : vector<1024x1024xi32>
      %iota3A_49 = tpu.iota {dimensions = array<i32: 1>} : vector<1024x1024xi32>
      %le3A = arith.cmpi sle, %iota3A_48, %iota3A_49 : vector<1024x1024xi32>
      %convert_element_type3A_50 = arith.extui %le3A : vector<1024x1024xi1> to vector<1024x1024xi32>
      %convert_element_type3A_51 = arith.sitofp %convert_element_type3A_50 : vector<1024x1024xi32> to vector<1024x1024xf32>
      %dot_general3A = arith.constant dense<0.000000e+00> : vector<8x1024xf32>
      %dot_general3A_52 = tpu.matmul %convert_element_type3A_47, %convert_element_type3A_51, %dot_general3A {dimension_numbers = #tpu.dot_dimension_numbers<[1], [0], [0], [1], [0, 0, 1, 1], [], []>, precision = #tpu.contract_precision<fp32>, transpose_lhs_hint = false} : vector<8x1024xf32>, vector<1024x1024xf32>, vector<8x1024xf32> -> vector<8x1024xf32>
      %slice3A_53 = vector.extract_strided_slice %dot_general3A_52 {offsets = [0, 1023], sizes = [8, 1], strides = [1, 1]} : vector<8x1024xf32> to vector<8x1xf32>
      %iota3A_54 = tpu.iota {dimensions = array<i32: 0>} : vector<8x8xi32>
      %iota3A_55 = tpu.iota {dimensions = array<i32: 1>} : vector<8x8xi32>
      %lt3A = arith.cmpi slt, %iota3A_55, %iota3A_54 : vector<8x8xi32>
      %convert_element_type3A_56 = arith.extui %lt3A : vector<8x8xi1> to vector<8x8xi32>
      %convert_element_type3A_57 = arith.sitofp %convert_element_type3A_56 : vector<8x8xi32> to vector<8x8xf32>
      %dot_general3A_58 = arith.constant dense<0.000000e+00> : vector<8x1xf32>
      %dot_general3A_59 = tpu.matmul %convert_element_type3A_57, %slice3A_53, %dot_general3A_58 {dimension_numbers = #tpu.dot_dimension_numbers<[1], [0], [0], [1], [0, 0, 1, 1], [], []>, precision = #tpu.contract_precision<fp32>, transpose_lhs_hint = false} : vector<8x8xf32>, vector<8x1xf32>, vector<8x1xf32> -> vector<8x1xf32>
      %eq3A_60 = arith.cmpi eq, %iota3A_54, %iota3A_55 : vector<8x8xi32>
      %convert_element_type3A_61 = arith.extui %eq3A_60 : vector<8x8xi1> to vector<8x8xi32>
      %convert_element_type3A_62 = arith.sitofp %convert_element_type3A_61 : vector<8x8xi32> to vector<8x8xf32>
      %dot_general3A_63 = arith.constant dense<0.000000e+00> : vector<1x8xf32>
      %dot_general3A_64 = tpu.matmul %slice3A_53, %convert_element_type3A_62, %dot_general3A_63 {dimension_numbers = #tpu.dot_dimension_numbers<[0], [0], [1], [1], [0, 1, 1, 1], [], []>, precision = #tpu.contract_precision<fp32>, transpose_lhs_hint = false} : vector<8x1xf32>, vector<8x8xf32>, vector<1x8xf32> -> vector<1x8xf32>
      %convert_element_type3A_65 = arith.fptosi %dot_general3A_64 : vector<1x8xf32> to vector<1x8xi32>
      %swap3A_66 = arith.constant 0 : index
      %swap3A_67 = arith.constant 0 : index
      %swap3A_68 = vector.load %arg4[%swap3A_66, %swap3A_67] : memref<1x8xi32, #tpu.memory_space<vmem>>, vector<1x8xi32>
      tpu.vector_store %arg4[%swap3A_66, %swap3A_67], %convert_element_type3A_65 {strides = array<i32>} : memref<1x8xi32, #tpu.memory_space<vmem>>, vector<1x8xi32>,
      %add3A_69 = vector.broadcast %dot_general3A_59 : vector<8x1xf32> to vector<8x1024xf32>
      %add3A_70 = arith.addf %dot_general3A_52, %add3A_69 : vector<8x1024xf32>
      %mul3A_71 = arith.mulf %convert_element_type3A_47, %add3A_70 : vector<8x1024xf32>
      %reduce_sum3A_72 = arith.constant dense<0.000000e+00> : vector<1024xf32>
      %reduce_sum3A_73 = vector.multi_reduction <add>, %mul3A_71, %reduce_sum3A_72 [0] : vector<8x1024xf32> to vector<1024xf32>
      %broadcast_in_dim3A_74 = vector.shape_cast %reduce_sum3A_73 : vector<1024xf32> to vector<1x1024xf32>
      %sub3A_75 = arith.constant 1.000000e+00 : f32
      %sub3A_76 = vector.broadcast %sub3A_75 : f32 to vector<1x1024xf32>
      %sub3A_77 = arith.subf %broadcast_in_dim3A_74, %sub3A_76 : vector<1x1024xf32>
      %eq3A_78 = arith.cmpi eq, %iota3A_48, %iota3A_49 : vector<1024x1024xi32>
      %convert_element_type3A_79 = arith.extui %eq3A_78 : vector<1024x1024xi1> to vector<1024x1024xi32>
      %convert_element_type3A_80 = arith.sitofp %convert_element_type3A_79 : vector<1024x1024xi32> to vector<1024x1024xf32>
      %dot_general3A_81 = arith.constant dense<0.000000e+00> : vector<1024x1xf32>
      %dot_general3A_82 = tpu.matmul %convert_element_type3A_80, %sub3A_77, %dot_general3A_81 {dimension_numbers = #tpu.dot_dimension_numbers<[1], [1], [0], [0], [0, 0, 1, 0], [], []>, precision = #tpu.contract_precision<fp32>, transpose_lhs_hint = false} : vector<1024x1024xf32>, vector<1x1024xf32>, vector<1024x1xf32> -> vector<1024x1xf32>
      %convert_element_type3A_83 = arith.sitofp %iota3A_49 : vector<1024x1024xi32> to vector<1024x1024xf32>
      %eq3A_84 = vector.broadcast %dot_general3A_82 : vector<1024x1xf32> to vector<1024x1024xf32>
      %eq3A_85 = arith.cmpf oeq, %eq3A_84, %convert_element_type3A_83 : vector<1024x1024xf32>
      %convert_element_type3A_86 = arith.extui %eq3A_85 : vector<1024x1024xi1> to vector<1024x1024xi32>
      %convert_element_type3A_87 = arith.sitofp %convert_element_type3A_86 : vector<1024x1024xi32> to vector<1024x1024xf32>
      %convert_element_type3A_88 = arith.sitofp %iota3A_48 : vector<1024x1024xi32> to vector<1024x1024xf32>
      %mul3A_89 = arith.mulf %convert_element_type3A_87, %convert_element_type3A_88 : vector<1024x1024xf32>
      %reduce_sum3A_90 = arith.constant dense<0.000000e+00> : vector<1024xf32>
      %reduce_sum3A_91 = vector.multi_reduction <add>, %mul3A_89, %reduce_sum3A_90 [0] : vector<1024x1024xf32> to vector<1024xf32>
      %broadcast_in_dim3A_92 = vector.shape_cast %reduce_sum3A_91 : vector<1024xf32> to vector<1x1024xf32>
      %convert_element_type3A_93 = arith.fptosi %broadcast_in_dim3A_92 : vector<1x1024xf32> to vector<1x1024xi32>
      %swap3A_94 = arith.constant 0 : index
      %swap3A_95 = arith.constant 0 : index
      %swap3A_96 = vector.load %arg3[%swap3A_94, %swap3A_95] : memref<1x1024xi32, #tpu.memory_space<vmem>>, vector<1x1024xi32>
      tpu.vector_store %arg3[%swap3A_94, %swap3A_95], %convert_element_type3A_93 {strides = array<i32>} : memref<1x1024xi32, #tpu.memory_space<vmem>>, vector<1x1024xi32>,
      %convert_element_type3A_97 = arith.fptosi %broadcast_in_dim3A_92 : vector<1x1024xf32> to vector<1x1024xi32>
      %add3A_98 = arith.constant 0 : i32
      %add3A_99 = vector.broadcast %add3A_98 : i32 to vector<1x1024xi32>
      %add3A_100 = arith.addi %convert_element_type3A_97, %add3A_99 : vector<1x1024xi32>
      %add3A_101 = arith.constant 1024 : i32
      %add3A_102 = vector.broadcast %add3A_101 : i32 to vector<1x1024xi32>
      %add3A_103 = arith.addi %convert_element_type3A_97, %add3A_102 : vector<1x1024xi32>
      %add3A_104 = arith.constant 2048 : i32
      %add3A_105 = vector.broadcast %add3A_104 : i32 to vector<1x1024xi32>
      %add3A_106 = arith.addi %convert_element_type3A_97, %add3A_105 : vector<1x1024xi32>
      %add3A_107 = arith.constant 3072 : i32
      %add3A_108 = vector.broadcast %add3A_107 : i32 to vector<1x1024xi32>
      %add3A_109 = arith.addi %convert_element_type3A_97, %add3A_108 : vector<1x1024xi32>
      %concatenate3A = tpu.concatenate %add3A_100, %add3A_103, %add3A_106, %add3A_109 in 1 : vector<1x1024xi32>, vector<1x1024xi32>, vector<1x1024xi32>, vector<1x1024xi32> -> vector<1x4096xi32>
      %swap3A_110 = arith.constant 0 : index
      %swap3A_111 = arith.constant 0 : index
      %swap3A_112 = vector.load %arg5[%swap3A_110, %swap3A_111] : memref<1x4096xi32, #tpu.memory_space<vmem>>, vector<1x4096xi32>
      tpu.vector_store %arg5[%swap3A_110, %swap3A_111], %concatenate3A {strides = array<i32>} : memref<1x4096xi32, #tpu.memory_space<vmem>>, vector<1x4096xi32>,
    } else {
    }
    return
  }
  func.func @transform_0(%arg0: i32, %arg1: i32) -> (i32, i32, i32, i32) {
    %c0_i32 = arith.constant 0 : i32
    %c0_i32_0 = arith.constant 0 : i32
    %c0_i32_1 = arith.constant 0 : i32
    return %arg0, %arg1, %c0_i32, %c0_i32_0 : i32, i32, i32, i32
  }
  func.func @transform_1(%arg0: i32, %arg1: i32) -> (i32, i32) {
    %c0_i32 = arith.constant 0 : i32
    %c0_i32_0 = arith.constant 0 : i32
    %c0_i32_1 = arith.constant 0 : i32
    return %c0_i32, %c0_i32_0 : i32, i32
  }
  func.func @transform_2(%arg0: i32, %arg1: i32) -> (i32, i32) {
    %c0_i32 = arith.constant 0 : i32
    %c0_i32_0 = arith.constant 0 : i32
    %c0_i32_1 = arith.constant 0 : i32
    return %c0_i32, %c0_i32_0 : i32, i32
  }
  func.func @transform_3(%arg0: i32, %arg1: i32) -> (i32, i32) {
    %c0_i32 = arith.constant 0 : i32
    %c0_i32_0 = arith.constant 0 : i32
    %c0_i32_1 = arith.constant 0 : i32
    return %c0_i32, %c0_i32_0 : i32, i32
  }
}

</mosaic_0001>

<sc_bundles>
// kernel: kernel.4.cloned.1.call-start
scs
__scs_entry_jumppad:
0x0: {  	(pc) =	sbr.rel $0x88, $3  }
0x1: {  	(tag) =	ssettag $0x0;
	lr =	simm.s32 $0x1  }
0x2: {  	[smem:$0x3F9F] =	sst lr;
	_ =	strace $0xD0000000  }
0x3: {  	_ = 	snop  }
0x4: {  	_ = 	snop  }
0x5: {  	_ = 	snop  }
0x6: {  	_ = 	snop  }
0x7: {  	_ = 	snop  }
__scs_overlays_trampoline_lowered:
0x8: {  	[smem:$0x3FAE] =	sst s0  }
0x9: {  	[smem:$0x3FAF] =	sst s1  }
0xa: {  	[smem:$0x3FB0] =	sst s2  }
0xb: {  	[smem:$0x3FB1] =	sst s3  }
0xc: {  	[smem:$0x3FB2] =	sst s4  }
0xd: {  	[smem:$0x3FB3] =	sst s5  }
0xe: {  	[smem:$0x3FB4] =	sst s6  }
0xf: {  	[smem:$0x3FB5] =	sst s7  }
0x10: {  	[smem:$0x3FB6] =	sst s8  }
0x11: {  	[smem:$0x3FB7] =	sst s9;
	s0 =	simm.s32 @!p0 $0x0  }
0x12: {  	s1 =	sld [smem:$0x3F9D];
	s0 =	simm.s32 @p0 $0x1  }
0x13: {  	[smem:$0x3FB8] =	sst s0;
	s0 =	simm.s32 @!p1 $0x0  }
0x14: {  	s2 =	sld [smem:$0x3F9C];
	s0 =	simm.s32 @p1 $0x1  }
0x15: {  	[smem:$0x3FB9] =	sst s0;
	s0 =	simm.s32 @!p2 $0x0  }
0x16: {  	s3 =	sld [smem:$0x3FDB];
	s0 =	simm.s32 @p2 $0x1  }
0x17: {  	s4 =	simm.s32 $0x1BF5;
	[smem:$0x3FBB] =	sst s0  }
0x18: {  	s0 =	sld [smem:$0x3F9E];
	_ =	swait.ge [sflag:s4], $0x0  }
0x19: {  	s7 =	sld [smem:$0x3F9F]  }
0x1a: {  	s8 =	sadd.s32 $0xFFFFE003, lr  }
0x1b: {  	s9 =	sadd.s32 $0xFFFFFEF7, lr;
	s5 =	simm.s32 $0xFFFFFFFF;
	p2 =	slt.u32 s8, $0xFFFFF086  }
0x1c: {  	p1 =	slt.u32 s9, $0xF7A;
	s5 =	simm.s32 @!p2 $0x0  }
0x1d: {  	s5 =	simm.s32 @p1 $0x1;
	p0 =	seq.s32 s7, s2  }
0x1e: {  	s7 =	smul.u32 @!p0 $0xF7A, s2;
	p2 =	seq.s32 @!p0 s5, $0x0  }
0x1f: {  	s9 =	smul.u32 $0xF7A, s1;
	s8 =	simm.s32 @!p0 $0x1BF5;
	p2 =	por !p2, p0  }
0x20: {  	[sflag:s8] =	ssyncset.s32 @!p0 $0xFFFFF086;
	s6 =	sadd.s32 @!p0 s3, s7;
	s7 =	simm.s32 @!p0 $0x108  }
0x21: {  	s3 =	sadd.s32 s3, s9;
	s6 =	sadd.s32 @!p0 $0x88, s6;
	s7 =	simm.s32 @p2 $0x1082  }
0x22: {  	[simem:s7], [sflag:s8] =	dma.local @!p0 [hbm:s6], $0xF7A  }
0x23: {  	s9 =	sor.u32 $0xD0000000, s2;
	s6 =	simm.s32 $0x108;
	_ =	swait.ge @!p0 [sflag:s8], $0x0  }
0x24: {  	s3 =	sadd.s32 $0x88, s3;
	s6 =	simm.s32 @!p1 $0x1082;
	[sflag:s4] =	ssyncset.s32 $0xFFFFF086  }
0x25: {  	[simem:s6], [sflag:s4] =	dma.local [hbm:s3], $0xF7A  }
0x26: {  	[smem:$0x3F9F] =	sst s1;
	(tag) =	ssettag s2;
	_ =	strace s9  }
0x27: {  	s1 =	sld [smem:$0x3FAF]  }
0x28: {  	s2 =	sld [smem:$0x3FB0]  }
0x29: {  	s4 =	sld [smem:$0x3FB2]  }
0x2a: {  	p0 =	seq.s32 s5, $0x0;
	s5 =	sld [smem:$0x3FB3]  }
0x2b: {  	s6 =	sld [smem:$0x3FB4]  }
0x2c: {  	s7 =	sld [smem:$0x3FB5]  }
0x2d: {  	s3 =	simm.s32 $0x108;
	s8 =	sld [smem:$0x3FB6]  }
0x2e: {  	s3 =	simm.s32 @!p0 $0x1082;
	s9 =	sld [smem:$0x3FB7]  }
0x2f: {  	lr =	sadd.s32 s0, s3;
	s0 =	sld [smem:$0x3FAE]  }
0x30: {  	s3 =	sld [smem:$0x3FB1]  }
0x31: {  	[smem:$0x3FBA] =	sst s10  }
0x32: {  	s10 =	sld [smem:$0x3FB8];
	_ =	sdelay $0x3  }
0x33: {  	p0 =	seq.s32 s10, $0x1;
	s10 =	sld [smem:$0x3FBA];
	_ =	sdelay $0x3  }
0x34: {  	[smem:$0x3FBA] =	sst s10  }
0x35: {  	s10 =	sld [smem:$0x3FB9];
	_ =	sdelay $0x3  }
0x36: {  	p1 =	seq.s32 s10, $0x1;
	s10 =	sld [smem:$0x3FBA];
	_ =	sdelay $0x3  }
0x37: {  	[smem:$0x3FBA] =	sst s10  }
0x38: {  	s10 =	sld [smem:$0x3FBB]  }
0x39: {  	_ = 	snop;
	(pc) =	sbr.ind lr, $3  }
0x3a: {  	_ = 	snop  }
0x3b: {  	_ = 	snop  }
0x3c: {  	p2 =	seq.s32 s10, $0x1;
	s10 =	sld [smem:$0x3FBA]  }
0x3d: {  	_ =	shalt  }
0x3e: {  	_ =	shalt  }
0x3f: {  	_ =	shalt  }
0x40: {  	_ =	shalt  }
0x41: {  	_ =	shalt  }
0x42: {  	_ =	shalt  }
0x43: {  	_ =	shalt  }
0x44: {  	_ =	shalt  }
0x45: {  	_ =	shalt  }
0x46: {  	_ =	shalt  }
0x47: {  	_ =	shalt  }
0x48: {  	_ =	shalt  }
0x49: {  	_ =	shalt  }
0x4a: {  	_ =	shalt  }
0x4b: {  	_ =	shalt  }
0x4c: {  	_ =	shalt  }
0x4d: {  	_ =	shalt  }
0x4e: {  	_ =	shalt  }
0x4f: {  	_ =	shalt  }
0x50: {  	_ =	shalt  }
0x51: {  	_ =	shalt  }
0x52: {  	_ =	shalt  }
0x53: {  	_ =	shalt  }
0x54: {  	_ =	shalt  }
0x55: {  	_ =	shalt  }
0x56: {  	_ =	shalt  }
0x57: {  	_ =	shalt  }
0x58: {  	_ =	shalt  }
0x59: {  	_ =	shalt  }
0x5a: {  	_ =	shalt  }
0x5b: {  	_ =	shalt  }
0x5c: {  	_ =	shalt  }
0x5d: {  	_ =	shalt  }
0x5e: {  	_ =	shalt  }
0x5f: {  	_ =	shalt  }
0x60: {  	_ =	shalt  }
0x61: {  	_ =	shalt  }
0x62: {  	_ =	shalt  }
0x63: {  	_ =	shalt  }
0x64: {  	_ =	shalt  }
0x65: {  	_ =	shalt  }
0x66: {  	_ =	shalt  }
0x67: {  	_ =	shalt  }
0x68: {  	_ =	shalt  }
0x69: {  	_ =	shalt  }
0x6a: {  	_ =	shalt  }
0x6b: {  	_ =	shalt  }
0x6c: {  	_ =	shalt  }
0x6d: {  	_ =	shalt  }
0x6e: {  	_ =	shalt  }
0x6f: {  	_ =	shalt  }
0x70: {  	_ =	shalt  }
0x71: {  	_ =	shalt  }
0x72: {  	_ =	shalt  }
0x73: {  	_ =	shalt  }
0x74: {  	_ =	shalt  }
0x75: {  	_ =	shalt  }
0x76: {  	_ =	shalt  }
0x77: {  	_ =	shalt  }
0x78: {  	_ =	shalt  }
0x79: {  	_ =	shalt  }
0x7a: {  	_ =	shalt  }
0x7b: {  	_ =	shalt  }
0x7c: {  	_ =	shalt  }
0x7d: {  	_ =	shalt  }
0x7e: {  	_ =	shalt  }
0x7f: {  	_ =	shalt  }
0x80: {  	_ =	shalt  }
0x81: {  	_ =	shalt  }
0x82: {  	_ =	shalt  }
0x83: {  	_ =	shalt  }
0x84: {  	_ =	shalt  }
0x85: {  	_ =	shalt  }
0x86: {  	_ =	shalt  }
0x87: {  	_ =	shalt  }
.Lfunc_end0:
.L_simem_size_0:
called_computation_lowered:
.L_overlay_start_0:
0x88: {  	s2 =	sld [smem:$0x3FD9]  }
0x89: {  	s3 =	sld [smem:$0x3FFE];
	_ =	sdelay $0x1  }
0x8a: {  	s1 =	srdreg.scid  }
0x8b: {  	s0 =	sand.u32 $0x1, s1  }
0x8c: {  	s14 =	sshll.u32 s0, $0xA;
	s2 =	sadd.s32 s3, s2  }
0x8d: {  	s2 =	sadd.s32 s2, s14  }
0x8e: {  	[smem:$0x3FC6] =	sst s2  }
0x8f: {  	_ = 	snop  }
0x90: {  	s2 =	sld [smem:$0x3FD0];
	_ =	sdelay $0x2  }
0x91: {  	s4 =	simm.s32 $0xA;
	s5 =	simm.s32 $0x10;
	s15 =	sld [smem:$0x3FC8]  }
0x92: {  	[smem:s5], [sflag:s4] =	dma.local [hbm:s2], $0x1  }
0x93: {  	_ =	swait.eq [sflag:s4], $0x1  }
0x94: {  	[sflag:s4] =	ssyncset.done $0x0  }
0x95: {  	[sflag:s4] =	ssyncadd.s32 $0xFFFFFFFF  }
0x96: {  	s16 =	sld [smem:$0x10];
	(tm) =	ssettm $0x1  }
0x97: {  	s17 =	sld [smem:$0x3FFB];
	_ =	sdelay $0x3  }
0x98: {  	_ =	strace s17  }
0x99: {  	s4 =	sld [smem:$0x3FFC];
	_ =	sdelay $0x3  }
0x9a: {  	_ =	strace s4  }
0x9b: {  	s4 =	sld [smem:$0x3FFD];
	_ =	sdelay $0x3  }
0x9c: {  	_ =	strace s4  }
0x9d: {  	_ =	strace $0x8FFFFFFF  }
0x9e: {  	s18 =	sld [smem:$0x3FDB];
	_ =	sdelay $0x1  }
0x9f: {  	s19 =	simm.s32 $_scs_section_size  }
0xa0: {  	s6 =	simm.s32 $_size__tile_overlayer_lowered;
	s7 =	simm.s32 $_tile_overlayer_lowered  }
0xa1: {  	s22 =	simm.s32 $0x1BFF;
	s21 =	sshll.u32 s7, $0x1;
	s4 =	sadd.s32 s19, s18  }
0xa2: {  	s8 =	simm.s32 $0x0;
	s20 =	sshll.u32 s6, $0x1;
	s6 =	sadd.s32 s21, s4  }
0xa3: {  	[timem:s8], [sflag:s22] =	dma.local [hbm:s6], s20  }
0xa4: {  	_ =	swait.ge [sflag:s22], s20  }
0xa5: {  	s5 =	ssub.s32 $0x0, s20;
	[sflag:s22] =	ssyncset.done $0x0  }
0xa6: {  	[sflag:s22] =	ssyncadd.s32 s5;
	_ =	sdelay $0x1  }
0xa7: {  	s23 =	simm.s32 $0x1B8B  }
0xa8: {  	_ =	swait.ge [sflag:s23], $0x1  }
0xa9: {  	[sflag:s23] =	ssyncset.done $0x0  }
0xaa: {  	s25 =	simm.s32 $0x1B8E;
	s24 =	sld [smem:$0x3FFE];
	[sflag:s23] =	ssyncadd.s32 $0xFFFFFFFF  }
0xab: {  	s26 =	simm.s32 $execute0_lowered;
	[smem:$0x3FD2] =	sst s25  }
0xac: {  	s6 =	sshll.u32 s26, $0x1;
	_ =	strace $0x80000046;
	[dreg:$0x1] =	wrdreg $0xFFFFFFFF  }
0xad: {  	s28 =	simm.s32 $_size_execute0_lowered;
	s4 =	sadd.s32 s4, s6;
	[dreg:$0x0] =	wrdreg $0x0  }
0xae: {  	s6 =	sshll.u32 s28, $0x1;
	[dreg:$0x2] =	wrdreg s4  }
0xaf: {  	[dreg:$0x3] =	wrdreg s6  }
0xb0: {  	[dreg:$0x4] =	wrdreg $0xC0  }
0xb1: {  	_ =	task [dreg:s8], $0x5FFFF  }
0xb2: {  	[dreg:$0x1] =	wrdreg $0xFFFFFFFF  }
0xb3: {  	[dreg:$0x0] =	wrdreg $0x60  }
0xb4: {  	[dreg:$0x2] =	wrdreg s15  }
0xb5: {  	[dreg:$0x3] =	wrdreg s24  }
0xb6: {  	[dreg:$0x4] =	wrdreg s16  }
0xb7: {  	[dreg:$0x5] =	wrdreg $0x9  }
0xb8: {  	_ =	task.clear_ibuf [dreg:s8], $0x6FFFF;
	_ =	strace $0x90000046  }
0xb9: {  	s29 =	simm.s32 $0x9;
	_ =	strace $0x80000048  }
0xba: {  	_ =	swait.ge [sflag:s29], $0x1  }
0xbb: {  	[sflag:s29] =	ssyncadd.s32 $0xFFFFFFFF  }
0xbc: {  	_ =	strace $0x90000048  }
0xbd: {  	_ =	sfence  }
0xbe: {  	s30 =	sld [smem:$0x0];
	_ =	sdelay $0x2  }
0xbf: {  	s31 =	sshll.u32 s1, $0xD;
	s1 =	sshrl.u32 s1, $0x2  }
0xc0: {  	s3 =	sand.u32 $0x4000, s31;
	s1 =	sadd.s32 s1, s30  }
0xc1: {  	s0 =	sor.u32 s3, s0;
	s1 =	sshll.u32 s1, $0x11  }
0xc2: {  	s0 =	sor.u32 s1, s0  }
0xc3: {  	s0 =	sadd.s32 $0x8F2B, s0  }
0xc4: {  	[sflag:s0] =	ssyncadd.remote.s32 $0x1  }
0xc5: {  	_ =	sfence.sel $0xFFFF  }
0xc6: {  	[dreg:$0x0] =	wrdreg $0xFFFFFFFF;
	(pc) =	sbr.abs _section_cstart, $3  }
0xc7: {  	[dreg:$0x1] =	wrdreg $0xFFFFFFFF  }
0xc8: {  	_ =	task.clear_ibuf [dreg:s8], $0x2FFFF;
	_ =	strace $0x9FFFFFFF  }
0xc9: {  	(tm) =	ssettm $0x7FFFFFFF  }
tec
execute0_lowered:
.L_overlay_start_1:
0x0: {  	(tag) =	ssettag $0x1  }
0x1: {  	s2 =	srdreg.scid  }
0x2: {  	s1 =	rddreg [dreg:$0x0];
	s0 =	stileid.u32;
	s2 =	sand.u32 $0x1, s2  }
0x3: {  	s4 =	rddreg [dreg:$0x1];
	s3 =	sshll.u32 s0, $0x5;
	s5 =	sshll.u32 s2, $0x4  }
0x4: {  	s6 =	rddreg [dreg:$0x2];
	s5 =	sor.u32 s5, s3;
	s3 =	simm.s32 $0x0  }
0x5: {  	s18 =	simm.s32 $0x880;
	[smem:$0x7FF] =	sst s3  }
0x6: {  	s19 =	simm.s32 $0x1080;
	_ =	strace $0x80000047;
	[dreg:$0x8] =	wrdreg s18  }
0x7: {  	s20 =	simm.s32 $0x1880;
	[dreg:$0x9] =	wrdreg s19  }
0x8: {  	s21 =	simm.s32 $0x2080;
	[dreg:$0xa] =	wrdreg s20  }
0x9: {  	s22 =	simm.s32 $0x2880;
	[dreg:$0xb] =	wrdreg s21  }
0xa: {  	s23 =	simm.s32 $0x3080;
	[dreg:$0xc] =	wrdreg s22  }
0xb: {  	s24 =	simm.s32 $0x3880;
	[dreg:$0xd] =	wrdreg s23  }
0xc: {  	s25 =	simm.s32 $0x4080;
	[dreg:$0xe] =	wrdreg s24  }
0xd: {  	s26 =	simm.s32 $0x4880;
	[dreg:$0xf] =	wrdreg s25  }
0xe: {  	s0 =	simm.s32 $0x5080;
	[dreg:$0x10] =	wrdreg s26  }
0xf: {  	s9 =	simm.s32 $0x7880;
	s10 =	simm.s32 $0x8080;
	[dreg:$0x11] =	wrdreg s0  }
0x10: {  	s11 =	simm.s32 $0x8880;
	s12 =	simm.s32 $0x9080;
	[dreg:$0x15] =	wrdreg s9  }
0x11: {  	s13 =	simm.s32 $0x9880;
	s28 =	simm.s32 $0x1;
	[dreg:$0x16] =	wrdreg s10  }
0x12: {  	s29 =	simm.s32 $0x2;
	s30 =	simm.s32 $0x3;
	[dreg:$0x17] =	wrdreg s11  }
0x13: {  	s7 =	smul.u32 $0x300, s5;
	s4 =	sadd.s32 s5, s4;
	[dreg:$0x18] =	wrdreg s12  }
0x14: {  	s8 =	smul.u32 $0x1800, s5;
	s5 =	sadd.s32 $0x800, s4;
	[dreg:$0x19] =	wrdreg s13  }
0x15: {  	s31 =	simm.s32 $0x4;
	s18 =	simm.s32 $0xB880;
	[dreg:$0x4] =	wrdreg s5  }
0x16: {  	s2 =	ssub.s32 $0x2, s2;
	s19 =	simm.s32 $0xC880;
	[dreg:$0x1d] =	wrdreg s18  }
0x17: {  	s20 =	simm.s32 $0xD080;
	s21 =	simm.s32 $0xD880;
	[dreg:$0x1e] =	wrdreg s19  }
0x18: {  	s22 =	simm.s32 $0xE080;
	s23 =	simm.s32 $0xE880;
	[dreg:$0x1f] =	wrdreg s20  }
0x19: {  	s9 =	simm.s32 $0x80;
	s24 =	simm.s32 $0xF080;
	[smem:$0x7F8] =	sst s21  }
0x1a: {  	s10 =	simm.s32 $0x6080;
	s25 =	simm.s32 $0xF880;
	[smem:$0x7F9] =	sst s22  }
0x1b: {  	s11 =	simm.s32 $0xC080;
	s26 =	simm.s32 $0x10080;
	[smem:$0x7FA] =	sst s23  }
0x1c: {  	s13 =	simm.s32 $0x11080;
	s4 =	sadd.s32 s6, s7;
	[smem:$0x7FB] =	sst s24  }
0x1d: {  	s14 =	sshrl.u32 s8, $0x3;
	s7 =	simm.s32 $0x6880;
	[smem:$0x7FC] =	sst s25  }
0x1e: {  	s8 =	simm.s32 $0x7080;
	s5 =	sadd.s32 $0x100, s1;
	[smem:$0x7FD] =	sst s26  }
0x1f: {  	s18 =	simm.s32 $0x13880;
	s19 =	simm.s32 $0x14080;
	s20 =	simm.s32 $0x14880  }
0x20: {  	s21 =	simm.s32 $0x15080;
	s22 =	simm.s32 $0x15880;
	[dreg:$0x13] =	wrdreg s7  }
0x21: {  	s23 =	simm.s32 $0x16080;
	s15 =	sadd.s32 $0xC00, s4;
	[dreg:$0x14] =	wrdreg s8  }
0x22: {  	s6 =	sadd.s32 s6, s14;
	s14 =	simm.s32 $0xA080;
	[dreg:$0x5] =	wrdreg s15  }
0x23: {  	s24 =	simm.s32 $0x16880;
	s16 =	sadd.s32 $0x1800, s6;
	[dreg:$0x1a] =	wrdreg s14  }
0x24: {  	s25 =	simm.s32 $0x17080;
	s17 =	sadd.s32 $0x2400, s6;
	[dreg:$0x6] =	wrdreg s16  }
0x25: {  	s26 =	simm.s32 $0x17880;
	s6 =	simm.s32 $0x5880;
	[dreg:$0x7] =	wrdreg s17  }
0x26: {  	s8 =	simm.s32 $0x6;
	s15 =	simm.s32 $0xA880;
	[dreg:$0x12] =	wrdreg s6  }
0x27: {  	s14 =	simm.s32 $0x11880;
	[dreg:$0x1b] =	wrdreg s15;
	s16 =	simm.s32 $0xB080  }
0x28: {  	v2 =	vlaneseq.u32;
	s17 =	sshrl.u32 s2, $0x1;
	s6 =	sadd.s32 $0x200, s1;
	s15 =	simm.s32 $0x12080  }
0x29: {  	vm0 =	vmmov $0xffff;
	v1 =	vshrl.u32 v2, $0x3;
	[dreg:$0x1c] =	wrdreg s16;
	s2 =	ssub.s32 s2, s17;
	s16 =	simm.s32 $0x12880  }
0x2a: {  	v0 =	vand.u32 $0x7, v2;
	v2 =	vor.u32 $0x8, v2;
	v1 =	vmul.u32 $0x8, v1;
	s17 =	simm.s32 $0x13080;
	s7 =	smax.u32 s2, $0x1;
	s2 =	simm.s32 $0x5  }
.LBB2_1:
0x2b: {  	s0 =	rddreg [dreg:$0x4]  }
0x2c: {  	[tilespmem:s3], [sflag:$0x6] =	stream.linear.gather [hbm4b:s0+s3], $0x80, $0x38;
	[tilespmem:$0x18080] =	vst v63  }
0x2d: {  	_ =	swait.ge [sflag:s8], $0x80  }
0x2e: {  	[sflag:s8] =	ssyncset.done $0x0  }
0x2f: {  	[sflag:s8] =	ssyncadd.s32 $0xFFFFFF80  }
0x30: {  	v3 =	vld [tilespmem:$0x0];
	_ =	sdelay $0x4  }
0x31: {  	v4 =	vshrl.u32 v3, $0x3  }
0x32: {  	v4 =	vmul.u32 $0x30, v4  }
0x33: {  	v3 =	vand.u32 $0x7, v3  }
0x34: {  	v3 =	vor.u32 v3, v4  }
0x35: {  	v4 =	vperm.xlane v3, v0;
	_ =	sdelay $0x1  }
0x36: {  	v4 =	vadd.s32 v1, v4;
	_ =	sdelay $0x3  }
0x37: {  	v3 =	vperm.xlane v3, v2  }
0x38: {  	[tilespmem:s9], [sflag:$0x1] =	stream.indirect_vreg.gather [hbm4b:s1+s3], $0x80, v4, vm0, $0xb8;
	[tilespmem:$0x18080] =	vst v63  }
0x39: {  	s0 =	rddreg [dreg:$0x8];
	v3 =	vadd.s32 v1, v3  }
0x3a: {  	[tilespmem:s0], [sflag:$0x1] =	stream.indirect_vreg.gather [hbm4b:s5+s3], $0x80, v4, vm0, $0xb8;
	[tilespmem:$0x18080] =	vst v63  }
0x3b: {  	s12 =	rddreg [dreg:$0x9]  }
0x3c: {  	[tilespmem:s12], [sflag:$0x1] =	stream.indirect_vreg.gather [hbm4b:s6+s3], $0x80, v4, vm0, $0xb8;
	[tilespmem:$0x18080] =	vst v63  }
0x3d: {  	s0 =	rddreg [dreg:$0xa]  }
0x3e: {  	[tilespmem:s0], [sflag:$0x1] =	stream.indirect_vreg.gather [hbm4b:s1+s3], $0x80, v3, vm0, $0xb8;
	[tilespmem:$0x18080] =	vst v63  }
0x3f: {  	s12 =	rddreg [dreg:$0xb]  }
0x40: {  	[tilespmem:s12], [sflag:$0x1] =	stream.indirect_vreg.gather [hbm4b:s5+s3], $0x80, v3, vm0, $0xb8;
	[tilespmem:$0x18080] =	vst v63  }
0x41: {  	s0 =	rddreg [dreg:$0xc]  }
0x42: {  	[tilespmem:s0], [sflag:$0x1] =	stream.indirect_vreg.gather [hbm4b:s6+s3], $0x80, v3, vm0, $0xb8;
	[tilespmem:$0x18080] =	vst v63  }
0x43: {  	v3 =	vld [tilespmem:$0x10];
	_ =	sdelay $0x4  }
0x44: {  	v57 =	vshrl.u32 v3, $0x3  }
0x45: {  	v4 =	vmul.u32 $0x30, v57  }
0x46: {  	v3 =	vand.u32 $0x7, v3  }
0x47: {  	v3 =	vor.u32 v3, v4  }
0x48: {  	v4 =	vperm.xlane v3, v0;
	_ =	sdelay $0x1  }
0x49: {  	v4 =	vadd.s32 v1, v4;
	_ =	sdelay $0x3  }
0x4a: {  	s0 =	rddreg [dreg:$0xd];
	v3 =	vperm.xlane v3, v2  }
0x4b: {  	[tilespmem:s0], [sflag:$0x1] =	stream.indirect_vreg.gather [hbm4b:s1+s3], $0x80, v4, vm0, $0xb8;
	[tilespmem:$0x18080] =	vst v63  }
0x4c: {  	s12 =	rddreg [dreg:$0xe];
	v3 =	vadd.s32 v1, v3  }
0x4d: {  	[tilespmem:s12], [sflag:$0x1] =	stream.indirect_vreg.gather [hbm4b:s5+s3], $0x80, v4, vm0, $0xb8;
	[tilespmem:$0x18080] =	vst v63  }
0x4e: {  	s0 =	rddreg [dreg:$0xf]  }
0x4f: {  	[tilespmem:s0], [sflag:$0x1] =	stream.indirect_vreg.gather [hbm4b:s6+s3], $0x80, v4, vm0, $0xb8;
	[tilespmem:$0x18080] =	vst v63  }
0x50: {  	s12 =	rddreg [dreg:$0x10]  }
0x51: {  	[tilespmem:s12], [sflag:$0x1] =	stream.indirect_vreg.gather [hbm4b:s1+s3], $0x80, v3, vm0, $0xb8;
	[tilespmem:$0x18080] =	vst v63  }
0x52: {  	s0 =	rddreg [dreg:$0x11]  }
0x53: {  	[tilespmem:s0], [sflag:$0x1] =	stream.indirect_vreg.gather [hbm4b:s5+s3], $0x80, v3, vm0, $0xb8;
	[tilespmem:$0x18080] =	vst v63  }
0x54: {  	s12 =	rddreg [dreg:$0x12]  }
0x55: {  	[tilespmem:s12], [sflag:$0x1] =	stream.indirect_vreg.gather [hbm4b:s6+s3], $0x80, v3, vm0, $0xb8;
	[tilespmem:$0x18080] =	vst v63  }
0x56: {  	v3 =	vld [tilespmem:$0x20];
	_ =	sdelay $0x4  }
0x57: {  	v58 =	vshrl.u32 v3, $0x3  }
0x58: {  	v4 =	vmul.u32 $0x30, v58  }
0x59: {  	v3 =	vand.u32 $0x7, v3  }
0x5a: {  	v3 =	vor.u32 v3, v4  }
0x5b: {  	v4 =	vperm.xlane v3, v0;
	_ =	sdelay $0x1  }
0x5c: {  	v4 =	vadd.s32 v1, v4;
	_ =	sdelay $0x3  }
0x5d: {  	v3 =	vperm.xlane v3, v2  }
0x5e: {  	[tilespmem:s10], [sflag:$0x2] =	stream.indirect_vreg.gather [hbm4b:s1+s3], $0x80, v4, vm0, $0xb8;
	[tilespmem:$0x18080] =	vst v63  }
0x5f: {  	s0 =	rddreg [dreg:$0x13];
	v3 =	vadd.s32 v1, v3  }
0x60: {  	[tilespmem:s0], [sflag:$0x2] =	stream.indirect_vreg.gather [hbm4b:s5+s3], $0x80, v4, vm0, $0xb8;
	[tilespmem:$0x18080] =	vst v63  }
0x61: {  	s12 =	rddreg [dreg:$0x14]  }
0x62: {  	[tilespmem:s12], [sflag:$0x2] =	stream.indirect_vreg.gather [hbm4b:s6+s3], $0x80, v4, vm0, $0xb8;
	[tilespmem:$0x18080] =	vst v63  }
0x63: {  	s0 =	rddreg [dreg:$0x15]  }
0x64: {  	[tilespmem:s0], [sflag:$0x2] =	stream.indirect_vreg.gather [hbm4b:s1+s3], $0x80, v3, vm0, $0xb8;
	[tilespmem:$0x18080] =	vst v63  }
0x65: {  	s12 =	rddreg [dreg:$0x16]  }
0x66: {  	[tilespmem:s12], [sflag:$0x2] =	stream.indirect_vreg.gather [hbm4b:s5+s3], $0x80, v3, vm0, $0xb8;
	[tilespmem:$0x18080] =	vst v63  }
0x67: {  	s0 =	rddreg [dreg:$0x17]  }
0x68: {  	[tilespmem:s0], [sflag:$0x2] =	stream.indirect_vreg.gather [hbm4b:s6+s3], $0x80, v3, vm0, $0xb8;
	[tilespmem:$0x18080] =	vst v63  }
0x69: {  	v3 =	vld [tilespmem:$0x30];
	_ =	sdelay $0x4  }
0x6a: {  	v59 =	vshrl.u32 v3, $0x3  }
0x6b: {  	v4 =	vmul.u32 $0x30, v59  }
0x6c: {  	v3 =	vand.u32 $0x7, v3  }
0x6d: {  	v3 =	vor.u32 v3, v4  }
0x6e: {  	v4 =	vperm.xlane v3, v0;
	_ =	sdelay $0x1  }
0x6f: {  	v4 =	vadd.s32 v1, v4;
	_ =	sdelay $0x3  }
0x70: {  	s0 =	rddreg [dreg:$0x18];
	v3 =	vperm.xlane v3, v2  }
0x71: {  	[tilespmem:s0], [sflag:$0x2] =	stream.indirect_vreg.gather [hbm4b:s1+s3], $0x80, v4, vm0, $0xb8;
	[tilespmem:$0x18080] =	vst v63  }
0x72: {  	s12 =	rddreg [dreg:$0x19];
	v3 =	vadd.s32 v1, v3  }
0x73: {  	[tilespmem:s12], [sflag:$0x2] =	stream.indirect_vreg.gather [hbm4b:s5+s3], $0x80, v4, vm0, $0xb8;
	[tilespmem:$0x18080] =	vst v63  }
0x74: {  	s0 =	rddreg [dreg:$0x1a]  }
0x75: {  	[tilespmem:s0], [sflag:$0x2] =	stream.indirect_vreg.gather [hbm4b:s6+s3], $0x80, v4, vm0, $0xb8;
	[tilespmem:$0x18080] =	vst v63  }
0x76: {  	s12 =	rddreg [dreg:$0x1b]  }
0x77: {  	[tilespmem:s12], [sflag:$0x2] =	stream.indirect_vreg.gather [hbm4b:s1+s3], $0x80, v3, vm0, $0xb8;
	[tilespmem:$0x18080] =	vst v63  }
0x78: {  	s0 =	rddreg [dreg:$0x1c]  }
0x79: {  	[tilespmem:s0], [sflag:$0x2] =	stream.indirect_vreg.gather [hbm4b:s5+s3], $0x80, v3, vm0, $0xb8;
	[tilespmem:$0x18080] =	vst v63  }
0x7a: {  	s12 =	rddreg [dreg:$0x1d]  }
0x7b: {  	[tilespmem:s12], [sflag:$0x2] =	stream.indirect_vreg.gather [hbm4b:s6+s3], $0x80, v3, vm0, $0xb8;
	[tilespmem:$0x18080] =	vst v63  }
0x7c: {  	v3 =	vld [tilespmem:$0x40];
	_ =	sdelay $0x4  }
0x7d: {  	v60 =	vshrl.u32 v3, $0x3  }
0x7e: {  	v4 =	vmul.u32 $0x30, v60  }
0x7f: {  	v3 =	vand.u32 $0x7, v3  }
0x80: {  	v3 =	vor.u32 v3, v4  }
0x81: {  	v4 =	vperm.xlane v3, v0;
	_ =	sdelay $0x1  }
0x82: {  	v4 =	vadd.s32 v1, v4;
	_ =	sdelay $0x3  }
0x83: {  	s0 =	rddreg [dreg:$0x1e];
	v3 =	vperm.xlane v3, v2  }
0x84: {  	[tilespmem:s11], [sflag:$0x3] =	stream.indirect_vreg.gather [hbm4b:s1+s3], $0x80, v4, vm0, $0xb8;
	[tilespmem:$0x18080] =	vst v63  }
0x85: {  	s12 =	rddreg [dreg:$0x1f];
	v3 =	vadd.s32 v1, v3  }
0x86: {  	[tilespmem:s0], [sflag:$0x3] =	stream.indirect_vreg.gather [hbm4b:s5+s3], $0x80, v4, vm0, $0xb8;
	[tilespmem:$0x18080] =	vst v63  }
0x87: {  	s0 =	sld [smem:$0x7F8]  }
0x88: {  	[tilespmem:s12], [sflag:$0x3] =	stream.indirect_vreg.gather [hbm4b:s6+s3], $0x80, v4, vm0, $0xb8;
	[tilespmem:$0x18080] =	vst v63  }
0x89: {  	s12 =	sld [smem:$0x7F9]  }
0x8a: {  	[tilespmem:s0], [sflag:$0x3] =	stream.indirect_vreg.gather [hbm4b:s1+s3], $0x80, v3, vm0, $0xb8;
	[tilespmem:$0x18080] =	vst v63  }
0x8b: {  	s0 =	sld [smem:$0x7FA]  }
0x8c: {  	[tilespmem:s12], [sflag:$0x3] =	stream.indirect_vreg.gather [hbm4b:s5+s3], $0x80, v3, vm0, $0xb8;
	[tilespmem:$0x18080] =	vst v63  }
0x8d: {  	_ = 	snop  }
0x8e: {  	[tilespmem:s0], [sflag:$0x3] =	stream.indirect_vreg.gather [hbm4b:s6+s3], $0x80, v3, vm0, $0xb8;
	[tilespmem:$0x18080] =	vst v63  }
0x8f: {  	v3 =	vld [tilespmem:$0x50];
	_ =	sdelay $0x4  }
0x90: {  	v61 =	vshrl.u32 v3, $0x3  }
0x91: {  	v4 =	vmul.u32 $0x30, v61  }
0x92: {  	v3 =	vand.u32 $0x7, v3  }
0x93: {  	v3 =	vor.u32 v3, v4  }
0x94: {  	v4 =	vperm.xlane v3, v0;
	_ =	sdelay $0x1  }
0x95: {  	v4 =	vadd.s32 v1, v4;
	_ =	sdelay $0x1  }
0x96: {  	s0 =	sld [smem:$0x7FB];
	_ =	sdelay $0x1  }
0x97: {  	s12 =	sld [smem:$0x7FC];
	v3 =	vperm.xlane v3, v2  }
0x98: {  	[tilespmem:s0], [sflag:$0x3] =	stream.indirect_vreg.gather [hbm4b:s1+s3], $0x80, v4, vm0, $0xb8;
	[tilespmem:$0x18080] =	vst v63  }
0x99: {  	v3 =	vadd.s32 v1, v3;
	s0 =	sld [smem:$0x7FD]  }
0x9a: {  	[tilespmem:s12], [sflag:$0x3] =	stream.indirect_vreg.gather [hbm4b:s5+s3], $0x80, v4, vm0, $0xb8;
	[tilespmem:$0x18080] =	vst v63  }
0x9b: {  	_ = 	snop  }
0x9c: {  	[tilespmem:s0], [sflag:$0x3] =	stream.indirect_vreg.gather [hbm4b:s6+s3], $0x80, v4, vm0, $0xb8;
	[tilespmem:$0x18080] =	vst v63  }
0x9d: {  	s12 =	simm.s32 $0x10880  }
0x9e: {  	[tilespmem:s12], [sflag:$0x3] =	stream.indirect_vreg.gather [hbm4b:s1+s3], $0x80, v3, vm0, $0xb8;
	[tilespmem:$0x18080] =	vst v63  }
0x9f: {  	_ = 	snop  }
0xa0: {  	[tilespmem:s13], [sflag:$0x3] =	stream.indirect_vreg.gather [hbm4b:s5+s3], $0x80, v3, vm0, $0xb8;
	[tilespmem:$0x18080] =	vst v63  }
0xa1: {  	_ = 	snop  }
0xa2: {  	[tilespmem:s14], [sflag:$0x3] =	stream.indirect_vreg.gather [hbm4b:s6+s3], $0x80, v3, vm0, $0xb8;
	[tilespmem:$0x18080] =	vst v63  }
0xa3: {  	v3 =	vld [tilespmem:$0x60];
	_ =	sdelay $0x4  }
0xa4: {  	v62 =	vshrl.u32 v3, $0x3  }
0xa5: {  	v4 =	vmul.u32 $0x30, v62  }
0xa6: {  	v3 =	vand.u32 $0x7, v3  }
0xa7: {  	v3 =	vor.u32 v3, v4  }
0xa8: {  	v4 =	vperm.xlane v3, v0;
	_ =	sdelay $0x1  }
0xa9: {  	v4 =	vadd.s32 v1, v4;
	_ =	sdelay $0x3  }
0xaa: {  	v3 =	vperm.xlane v3, v2  }
0xab: {  	[tilespmem:s15], [sflag:$0x4] =	stream.indirect_vreg.gather [hbm4b:s1+s3], $0x80, v4, vm0, $0xb8;
	[tilespmem:$0x18080] =	vst v63  }
0xac: {  	v3 =	vadd.s32 v1, v3  }
0xad: {  	[tilespmem:s16], [sflag:$0x4] =	stream.indirect_vreg.gather [hbm4b:s5+s3], $0x80, v4, vm0, $0xb8;
	[tilespmem:$0x18080] =	vst v63  }
0xae: {  	_ = 	snop  }
0xaf: {  	[tilespmem:s17], [sflag:$0x4] =	stream.indirect_vreg.gather [hbm4b:s6+s3], $0x80, v4, vm0, $0xb8;
	[tilespmem:$0x18080] =	vst v63  }
0xb0: {  	_ = 	snop  }
0xb1: {  	[tilespmem:s18], [sflag:$0x4] =	stream.indirect_vreg.gather [hbm4b:s1+s3], $0x80, v3, vm0, $0xb8;
	[tilespmem:$0x18080] =	vst v63  }
0xb2: {  	_ = 	snop  }
0xb3: {  	[tilespmem:s19], [sflag:$0x4] =	stream.indirect_vreg.gather [hbm4b:s5+s3], $0x80, v3, vm0, $0xb8;
	[tilespmem:$0x18080] =	vst v63  }
0xb4: {  	_ = 	snop  }
0xb5: {  	[tilespmem:s20], [sflag:$0x4] =	stream.indirect_vreg.gather [hbm4b:s6+s3], $0x80, v3, vm0, $0xb8;
	[tilespmem:$0x18080] =	vst v63  }
0xb6: {  	v3 =	vld [tilespmem:$0x70];
	_ =	sdelay $0x4  }
0xb7: {  	v63 =	vshrl.u32 v3, $0x3  }
0xb8: {  	v4 =	vmul.u32 $0x30, v63  }
0xb9: {  	v3 =	vand.u32 $0x7, v3  }
0xba: {  	v3 =	vor.u32 v3, v4  }
0xbb: {  	v4 =	vperm.xlane v3, v0;
	_ =	sdelay $0x1  }
0xbc: {  	v4 =	vadd.s32 v1, v4;
	_ =	sdelay $0x3  }
0xbd: {  	v3 =	vperm.xlane v3, v2  }
0xbe: {  	[tilespmem:s21], [sflag:$0x4] =	stream.indirect_vreg.gather [hbm4b:s1+s3], $0x80, v4, vm0, $0xb8;
	[tilespmem:$0x18080] =	vst v63  }
0xbf: {  	v3 =	vadd.s32 v1, v3  }
0xc0: {  	[tilespmem:s22], [sflag:$0x4] =	stream.indirect_vreg.gather [hbm4b:s5+s3], $0x80, v4, vm0, $0xb8;
	[tilespmem:$0x18080] =	vst v63  }
0xc1: {  	_ = 	snop  }
0xc2: {  	[tilespmem:s23], [sflag:$0x4] =	stream.indirect_vreg.gather [hbm4b:s6+s3], $0x80, v4, vm0, $0xb8;
	[tilespmem:$0x18080] =	vst v63  }
0xc3: {  	_ = 	snop  }
0xc4: {  	[tilespmem:s24], [sflag:$0x4] =	stream.indirect_vreg.gather [hbm4b:s1+s3], $0x80, v3, vm0, $0xb8;
	[tilespmem:$0x18080] =	vst v63  }
0xc5: {  	_ = 	snop  }
0xc6: {  	[tilespmem:s25], [sflag:$0x4] =	stream.indirect_vreg.gather [hbm4b:s5+s3], $0x80, v3, vm0, $0xb8;
	[tilespmem:$0x18080] =	vst v63  }
0xc7: {  	_ = 	snop  }
0xc8: {  	[tilespmem:s26], [sflag:$0x4] =	stream.indirect_vreg.gather [hbm4b:s6+s3], $0x80, v3, vm0, $0xb8;
	[tilespmem:$0x18080] =	vst v63  }
0xc9: {  	_ =	swait.ge [sflag:s28], $0x6000  }
0xca: {  	[sflag:s28] =	ssyncset.done $0x0  }
0xcb: {  	[sflag:s28] =	ssyncadd.s32 $0xFFFFA000  }
0xcc: {  	[hbm4b:s4+s3] =	stream.linear.scatter [tilespmem:s9], [sflag:$0x5], $0x6000, $0x38;
	[tilespmem:$0x18080] =	vst v63  }
0xcd: {  	_ =	swait.ge [sflag:s29], $0x6000  }
0xce: {  	[sflag:s29] =	ssyncset.done $0x0  }
0xcf: {  	s12 =	rddreg [dreg:$0x5];
	[sflag:s29] =	ssyncadd.s32 $0xFFFFA000  }
0xd0: {  	[hbm4b:s12+s3] =	stream.linear.scatter [tilespmem:s10], [sflag:$0x5], $0x6000, $0x38;
	[tilespmem:$0x18080] =	vst v63  }
0xd1: {  	_ =	swait.ge [sflag:s30], $0x6000  }
0xd2: {  	[sflag:s30] =	ssyncset.done $0x0  }
0xd3: {  	s12 =	rddreg [dreg:$0x6];
	[sflag:s30] =	ssyncadd.s32 $0xFFFFA000  }
0xd4: {  	[hbm4b:s12+s3] =	stream.linear.scatter [tilespmem:s11], [sflag:$0x5], $0x6000, $0x38;
	[tilespmem:$0x18080] =	vst v63  }
0xd5: {  	_ =	swait.ge [sflag:s31], $0x6000  }
0xd6: {  	[sflag:s31] =	ssyncset.done $0x0  }
0xd7: {  	s12 =	rddreg [dreg:$0x7];
	[sflag:s31] =	ssyncadd.s32 $0xFFFFA000  }
0xd8: {  	[hbm4b:s12+s3] =	stream.linear.scatter [tilespmem:s15], [sflag:$0x5], $0x6000, $0x38;
	[tilespmem:$0x18080] =	vst v63  }
0xd9: {  	_ =	swait.ge [sflag:s2], $0x6000  }
0xda: {  	[sflag:s2] =	ssyncset.done $0x0  }
0xdb: {  	[sflag:s2] =	ssyncadd.s32 $0xFFFFA000  }
0xdc: {  	_ =	swait.ge [sflag:s2], $0x6000  }
0xdd: {  	[sflag:s2] =	ssyncset.done $0x0  }
0xde: {  	[sflag:s2] =	ssyncadd.s32 $0xFFFFA000  }
0xdf: {  	p0 =	sne.s32 s7, $0x1;
	_ =	swait.ge [sflag:s2], $0x6000  }
.Ltmp0:
0xe0: {  	[sflag:s2] =	ssyncset.done $0x0;
	(pc) =	sbr.rel @p0 .LBB2_1-.Ltmp0, $4  }
0xe1: {  	[sflag:s2] =	ssyncadd.s32 $0xFFFFA000  }
0xe2: {  	_ =	swait.ge [sflag:s2], $0x6000  }
0xe3: {  	[sflag:s2] =	ssyncset.done $0x0  }
0xe4: {  	s7 =	sadd.s32 $0xFFFFFFFF, s7;
	[sflag:s2] =	ssyncadd.s32 $0xFFFFA000  }
0xe5: {  	_ =	sfence.sel $0x180000  }
0xe6: {  	[bflag:$0x0] =	sbarrier.arrive $0xFFFF  }
0xe7: {  	_ =	strace $0x90000047  }
0xe8: {  	s0 =	stileid.u32;
	[bflag:$0x2] =	sbarrier.arrive $0xFFFF  }
0xe9: {  	p0 =	sne.s32 s0, $0x0;
	s0 =	rddreg [dreg:$0x3]  }
0xea: {  	s0 =	sadd.s32 @!p0 $0x100000, s0  }
0xeb: {  	[sflag:s0] =	ssyncadd.tile.s32 @!p0 $0x1;
	_ =	shalt  }
.Lfunc_end2:
_tile_overlayer_lowered:
.L_overlay_start_2:
0xec: {  	(tag) =	ssettag $0x2  }
0xed: {  	s0 =	rddreg [dreg:$0x0];
	s2 =	stileid.u32  }
0xee: {  	s1 =	rddreg [dreg:$0x1];
	p0 =	sne.s32 s2, $0x0  }
0xef: {  	s3 =	rddreg [dreg:$0x2];
	[bflag:$0x3] =	sbarrier.arrive $0xFFFF;
	s2 =	simm.s32 @!p0 $0x1C06  }
0xf0: {  	[timem:s3], [sflag:s2] =	dma.local @!p0 [hbm:s0], s1  }
0xf1: {  	s0 =	simm.s32 @!p0 $0x6  }
0xf2: {  	_ =	swait.ge @!p0 [sflag:s0], s1  }
0xf3: {  	s1 =	ssub.s32 @!p0 $0x0, s1;
	[sflag:s0] =	ssyncset.done @!p0 $0x0  }
0xf4: {  	[sflag:s0] =	ssyncadd.s32 @!p0 s1  }
0xf5: {  	[bflag:$0x3] =	sbarrier.arrive $0xFFFF  }
0xf6: {  	_ =	shalt  }

</sc_bundles>
